<compile_context>
chip_gen: v7x
topology: tpu7x:2x2x1
jax: 0.10.2.dev20260603
libtpu: 0.0.44.dev20260713+nightly
codegen_flags: <defaults>
</compile_context>

<pallas_src>
import math

import jax
import jax.numpy as jnp
import numpy as np
from jax.experimental import pallas as pl
from jax.experimental.pallas import tpu as pltpu

_N_BINS = 32
_DIM = 64
_RATIO = 1.2
_BOUND = 10.0
_BETA = 1e-06


def _mesh_consts_np():
    m = _N_BINS / 2
    x1l = _BOUND * (_RATIO - 1.0) / (math.pow(_RATIO, m) - 1.0)
    index = np.arange(0, _N_BINS + 1, dtype=np.float32).reshape(-1, 1) - m
    xr = (1.0 - np.power(_RATIO, np.abs(index))) / (1.0 - _RATIO)
    xr = np.where(index >= 0, x1l * xr, -x1l * xr).astype(np.float32)
    xr = (xr + _BOUND) / 2.0 / _BOUND
    mesh = np.concatenate(
        [np.zeros((1, 1), np.float32), xr[1:-1], np.ones((1, 1), np.float32)], 0
    )
    elmt = (mesh[1:] - mesh[:-1]).astype(np.float32)
    return mesh[:, 0], elmt[:, 0]


_MESH, _ELMT = _mesh_consts_np()

_X1L = _BOUND * (_RATIO - 1.0) / (math.pow(_RATIO, _N_BINS / 2) - 1.0)
_GA = (_RATIO - 1.0) / _X1L
_INV_LOG2_R = 1.0 / math.log2(_RATIO)
_HALF = _N_BINS // 2


def _tables_kernel(p_ref, w_ref, e_ref, m_ref, d0_ref, d1_ref, d2_ref):
    w_half = w_ref[...]
    elmt_col = e_ref[...]
    m_col = m_ref[...]

    ep = jnp.exp(p_ref[...])
    denom = jnp.sum(ep * w_half, axis=0, keepdims=True)
    scale = (1.0 - (_ELMT[0] + _ELMT[-1]) * _BETA / 2.0) / denom
    px = ep * scale
    beta_row = jnp.full((1, _DIM), _BETA, jnp.float32)
    v1 = jnp.concatenate([beta_row, px], axis=0)
    v2 = jnp.concatenate([px, beta_row], axis=0)
    cell = (v1 + v2) * 0.5 * elmt_col

    rows = [jnp.zeros((1, _DIM), jnp.float32)]
    acc = jnp.zeros((1, _DIM), jnp.float32)
    for j in range(_N_BINS - 1):
        acc = acc + cell[j : j + 1]
        rows.append(acc)
    f_tab = jnp.concatenate(rows, axis=0)

    s = (v2 - v1) * (0.5 / elmt_col)
    c2 = s
    c1 = v1 - 2.0 * m_col * s
    c0 = f_tab + (m_col * m_col) * s - m_col * v1
    d2_ref[...] = c2 * (1.0 / (2.0 * _BOUND))
    d1_ref[...] = c1 + c2
    d0_ref[...] = 2.0 * _BOUND * (c0 + 0.5 * c1 + 0.25 * c2) - _BOUND


def _make_tables(p):
    out = jax.ShapeDtypeStruct((_N_BINS, _DIM), jnp.float32)
    w_half = jnp.asarray(((_ELMT[:-1] + _ELMT[1:]) / 2.0).reshape(-1, 1))
    elmt_col = jnp.asarray(_ELMT.reshape(-1, 1))
    m_col = jnp.asarray(_MESH[:_N_BINS].reshape(-1, 1))
    return pl.pallas_call(
        _tables_kernel,
        out_shape=(out, out, out),
    )(p, w_half, elmt_col, m_col)


_LANES = 128
_BLOCK_ROWS = 8192


def _map_kernel(x_ref, d0_ref, d1_ref, d2_ref, o_ref):
    rows2, cols = x_ref.shape
    half = rows2 // 2
    x = x_ref[...]
    u = jnp.concatenate([x[:half, :], x[half:, :]], axis=1)

    o_ref[...] = x * 2.0 + 1.0
    return
    g = jnp.log2(1.0 + jnp.abs(u) * _GA) * _INV_LOG2_R
    cover = g < float(_HALF)
    sg = jax.lax.bitcast_convert_type(
        jnp.bitwise_or(
            jnp.bitwise_and(
                jax.lax.bitcast_convert_type(u, jnp.uint32), jnp.uint32(0x80000000)
            ),
            jax.lax.bitcast_convert_type(g, jnp.uint32),
        ),
        jnp.float32,
    )
    kc = jnp.floor(float(_HALF) + sg).astype(jnp.int32)
    klo = jnp.bitwise_and(kc, 7)
    khi = jnp.bitwise_and(jnp.right_shift(kc, 3), 3)

    def _lut(tab_ref):
        parts = [
            jnp.take_along_axis(
                tab_ref[8 * i : 8 * (i + 1), :], klo, axis=0,
                mode="promise_in_bounds",
            )
            for i in range(4)
        ]
        a = jnp.where(khi == 1, parts[1], parts[0])
        b = jnp.where(khi == 3, parts[3], parts[2])
        return jnp.where(khi >= 2, b, a)

    d0 = d0_ref[0, :] + jnp.zeros_like(u)
    d1 = d1_ref[0, :] + jnp.zeros_like(u)
    d2 = d2_ref[0, :] + jnp.zeros_like(u)

    y = d0 + u * (d1 + u * d2)
    uc = jnp.clip(u, -_BOUND, _BOUND)
    tail = uc + _BETA * (u - uc)
    y = jnp.where(cover, y, tail)
    o_ref[:half, :] = y[:, :cols]
    o_ref[half:, :] = y[:, cols:]


def kernel(inputs, p):
    n, d = inputs.shape
    d0, d1, d2 = _make_tables(p)
    fold = _LANES // d
    d0 = jnp.concatenate([d0] * fold, axis=1)
    d1 = jnp.concatenate([d1] * fold, axis=1)
    d2 = jnp.concatenate([d2] * fold, axis=1)
    rows = n // fold
    block_rows = min(_BLOCK_ROWS, rows)
    tab_spec = pl.BlockSpec((_N_BINS, _LANES), lambda i: (0, 0))
    x2 = inputs.reshape(rows, _LANES)
    out = pl.pallas_call(
        _map_kernel,
        out_shape=jax.ShapeDtypeStruct(x2.shape, jnp.float32),
        grid=(rows // block_rows,),
        in_specs=[
            pl.BlockSpec((block_rows, _LANES), lambda i: (i, 0)),
            tab_spec,
            tab_spec,
            tab_spec,
        ],
        out_specs=pl.BlockSpec((block_rows, _LANES), lambda i: (i, 0)),
        compiler_params=pltpu.CompilerParams(
            dimension_semantics=("parallel",),
        ),
    )(x2, d0, d1, d2)
    return out.reshape(n, d)

# --- scband reference (transcript-rebuilt; emitter-appended) ---
"""Pipeline reference for scband-flow-mapping-20031727468850 (READ-ONLY COPY).

The authoritative reference and input builder live on the scoring server;
editing this copy changes nothing except your own understanding.
"""

import jax, jax.numpy as jnp
import numpy as np
import math

N_BINS = 32
INPUT_DIM = 64
R = 1.2
BOUND = 10.0
BETA = 1e-06


def _mesh_consts():
    m = N_BINS / 2
    x1L = BOUND * (R - 1.0) / (math.pow(R, m) - 1.0)
    index = np.arange(0, N_BINS + 1, dtype=np.float32).reshape(-1, 1) - m
    xr = (1.0 - np.power(R, np.abs(index))) / (1.0 - R)
    xr = np.where(index >= 0, x1L * xr, -x1L * xr).astype(np.float32)
    xr = (xr + BOUND) / 2.0 / BOUND
    mesh = np.concatenate([np.zeros((1, 1), np.float32), xr[1:-1], np.ones((1, 1), np.float32)], 0)
    elmt = (mesh[1:] - mesh[:-1]).astype(np.float32)
    return jnp.asarray(mesh), jnp.asarray(elmt)


def _forward(inputs, p):
    mesh, elmt = _mesh_consts()
    D = INPUT_DIM
    # _pdf_normalize
    p0 = jnp.ones((1, D), jnp.float32) * BETA
    exp_p = jnp.exp(p)
    px = exp_p * (elmt[:-1] + elmt[1:]) / 2.0
    px = (1.0 - (elmt[0] + elmt[-1]) * BETA / 2.0) / jnp.sum(px, 0, keepdims=True)
    px = px * exp_p
    pdf = jnp.concatenate([p0, px, p0], 0)  # (n_bins+1, D)
    cell = (pdf[:-1] + pdf[1:]) / 2.0 * elmt  # (n_bins, D)
    F_ref = jnp.concatenate([jnp.zeros((1, D), jnp.float32), jnp.cumsum(cell, 0)[:N_BINS - 1]], 0)  # (n_bins, D)
    # forward (reverse=False, logdet=None)
    x = (inputs + BOUND) / 2.0 / BOUND
    mesh_flat = mesh[:, 0]
    k = jnp.searchsorted(mesh_flat, x, side='right') - 1
    cover = jnp.where(k * (k - N_BINS + 1) <= 0, 1.0, 0.0)
    k = jnp.clip(k, 0, N_BINS - 1)
    v1 = jnp.take_along_axis(pdf, k, axis=0)
    v2 = jnp.take_along_axis(pdf, k + 1, axis=0)
    xmodi = x - mesh_flat[k]
    h = elmt[:, 0][k]
    F_pre = jnp.take_along_axis(F_ref, k, axis=0)
    y = jnp.where(cover > 0, F_pre + xmodi ** 2 / 2.0 * (v2 - v1) / h + xmodi * v1, x)
    y = y * 2.0 * BOUND - BOUND
    y = jnp.where(y > BOUND, BETA * (y - BOUND) + BOUND, y)
    y = jnp.where(y < -BOUND, BETA * (y + BOUND) - BOUND, y)
    return y


def setup_inputs(seed: int = 0):
    key = jax.random.key(seed)
    inputs = jax.random.normal(key, (262144, INPUT_DIM), dtype=jnp.float32)
    p = jnp.zeros((N_BINS - 1, INPUT_DIM), dtype=jnp.float32)
    return {"inputs": inputs, "p": p}


def reference(inputs, p):
    return _forward(inputs, p)

if __name__ == "__main__":
    import jax
    _d = setup_inputs()
    print(jax.jit(kernel)(*tuple(_d.values())))

</pallas_src>

<mosaic_0001>
module attributes {stable_mosaic.version = 14 : i64} {
  func.func @_tables_kernel(%arg0: memref<31x64xf32, #tpu.memory_space<vmem>>, %arg1: memref<31x1xf32, #tpu.memory_space<vmem>>, %arg2: memref<32x1xf32, #tpu.memory_space<vmem>>, %arg3: memref<32x1xf32, #tpu.memory_space<vmem>>, %arg4: memref<32x64xf32, #tpu.memory_space<vmem>>, %arg5: memref<32x64xf32, #tpu.memory_space<vmem>>, %arg6: memref<32x64xf32, #tpu.memory_space<vmem>>) attributes {dimension_semantics = [], scalar_prefetch = 0 : i64, scratch_operands = 0 : i64, tpu.core_type = #tpu.core_type<tc>} {
    %get3A = arith.constant 0 : index
    %get3A_0 = arith.constant 0 : index
    %get3A_1 = vector.load %arg1[%get3A, %get3A_0] : memref<31x1xf32, #tpu.memory_space<vmem>>, vector<31x1xf32>
    %get3A_2 = arith.constant 0 : index
    %get3A_3 = arith.constant 0 : index
    %get3A_4 = vector.load %arg2[%get3A_2, %get3A_3] : memref<32x1xf32, #tpu.memory_space<vmem>>, vector<32x1xf32>
    %get3A_5 = arith.constant 0 : index
    %get3A_6 = arith.constant 0 : index
    %get3A_7 = vector.load %arg3[%get3A_5, %get3A_6] : memref<32x1xf32, #tpu.memory_space<vmem>>, vector<32x1xf32>
    %get3A_8 = arith.constant 0 : index
    %get3A_9 = arith.constant 0 : index
    %get3A_10 = vector.load %arg0[%get3A_8, %get3A_9] : memref<31x64xf32, #tpu.memory_space<vmem>>, vector<31x64xf32>
    %exp3A = math.exp %get3A_10 : vector<31x64xf32>
    %mul3A = vector.broadcast %get3A_1 : vector<31x1xf32> to vector<31x64xf32>
    %mul3A_11 = arith.mulf %exp3A, %mul3A : vector<31x64xf32>
    %reduce_sum3A = arith.constant dense<0.000000e+00> : vector<64xf32>
    %reduce_sum3A_12 = vector.multi_reduction <add>, %mul3A_11, %reduce_sum3A [0] : vector<31x64xf32> to vector<64xf32>
    %broadcast_in_dim3A = vector.shape_cast %reduce_sum3A_12 : vector<64xf32> to vector<1x64xf32>
    %div3A = arith.constant 0.99999994 : f32
    %div3A_13 = vector.broadcast %div3A : f32 to vector<1x64xf32>
    %div3A_14 = arith.divf %div3A_13, %broadcast_in_dim3A : vector<1x64xf32>
    %mul3A_15 = vector.broadcast %div3A_14 : vector<1x64xf32> to vector<31x64xf32>
    %mul3A_16 = arith.mulf %exp3A, %mul3A_15 : vector<31x64xf32>
    %broadcast_in_dim3A_17 = arith.constant 9.99999997E-7 : f32
    %broadcast_in_dim3A_18 = vector.broadcast %broadcast_in_dim3A_17 : f32 to vector<1x64xf32>
    %concatenate3A = tpu.concatenate %broadcast_in_dim3A_18, %mul3A_16 in 0 : vector<1x64xf32>, vector<31x64xf32> -> vector<32x64xf32>
    %concatenate3A_19 = tpu.concatenate %mul3A_16, %broadcast_in_dim3A_18 in 0 : vector<31x64xf32>, vector<1x64xf32> -> vector<32x64xf32>
    %add3A = arith.addf %concatenate3A, %concatenate3A_19 : vector<32x64xf32>
    %mul3A_20 = arith.constant 5.000000e-01 : f32
    %mul3A_21 = vector.broadcast %mul3A_20 : f32 to vector<32x64xf32>
    %mul3A_22 = arith.mulf %add3A, %mul3A_21 : vector<32x64xf32>
    %mul3A_23 = vector.broadcast %get3A_4 : vector<32x1xf32> to vector<32x64xf32>
    %mul3A_24 = arith.mulf %mul3A_22, %mul3A_23 : vector<32x64xf32>
    %broadcast_in_dim3A_25 = arith.constant 0.000000e+00 : f32
    %broadcast_in_dim3A_26 = vector.broadcast %broadcast_in_dim3A_25 : f32 to vector<1x64xf32>
    %broadcast_in_dim3A_27 = arith.constant 0.000000e+00 : f32
    %broadcast_in_dim3A_28 = vector.broadcast %broadcast_in_dim3A_27 : f32 to vector<1x64xf32>
    %slice3A = vector.extract_strided_slice %mul3A_24 {offsets = [0, 0], sizes = [1, 64], strides = [1, 1]} : vector<32x64xf32> to vector<1x64xf32>
    %add3A_29 = arith.addf %broadcast_in_dim3A_28, %slice3A : vector<1x64xf32>
    %slice3A_30 = vector.extract_strided_slice %mul3A_24 {offsets = [1, 0], sizes = [1, 64], strides = [1, 1]} : vector<32x64xf32> to vector<1x64xf32>
    %add3A_31 = arith.addf %add3A_29, %slice3A_30 : vector<1x64xf32>
    %slice3A_32 = vector.extract_strided_slice %mul3A_24 {offsets = [2, 0], sizes = [1, 64], strides = [1, 1]} : vector<32x64xf32> to vector<1x64xf32>
    %add3A_33 = arith.addf %add3A_31, %slice3A_32 : vector<1x64xf32>
    %slice3A_34 = vector.extract_strided_slice %mul3A_24 {offsets = [3, 0], sizes = [1, 64], strides = [1, 1]} : vector<32x64xf32> to vector<1x64xf32>
    %add3A_35 = arith.addf %add3A_33, %slice3A_34 : vector<1x64xf32>
    %slice3A_36 = vector.extract_strided_slice %mul3A_24 {offsets = [4, 0], sizes = [1, 64], strides = [1, 1]} : vector<32x64xf32> to vector<1x64xf32>
    %add3A_37 = arith.addf %add3A_35, %slice3A_36 : vector<1x64xf32>
    %slice3A_38 = vector.extract_strided_slice %mul3A_24 {offsets = [5, 0], sizes = [1, 64], strides = [1, 1]} : vector<32x64xf32> to vector<1x64xf32>
    %add3A_39 = arith.addf %add3A_37, %slice3A_38 : vector<1x64xf32>
    %slice3A_40 = vector.extract_strided_slice %mul3A_24 {offsets = [6, 0], sizes = [1, 64], strides = [1, 1]} : vector<32x64xf32> to vector<1x64xf32>
    %add3A_41 = arith.addf %add3A_39, %slice3A_40 : vector<1x64xf32>
    %slice3A_42 = vector.extract_strided_slice %mul3A_24 {offsets = [7, 0], sizes = [1, 64], strides = [1, 1]} : vector<32x64xf32> to vector<1x64xf32>
    %add3A_43 = arith.addf %add3A_41, %slice3A_42 : vector<1x64xf32>
    %slice3A_44 = vector.extract_strided_slice %mul3A_24 {offsets = [8, 0], sizes = [1, 64], strides = [1, 1]} : vector<32x64xf32> to vector<1x64xf32>
    %add3A_45 = arith.addf %add3A_43, %slice3A_44 : vector<1x64xf32>
    %slice3A_46 = vector.extract_strided_slice %mul3A_24 {offsets = [9, 0], sizes = [1, 64], strides = [1, 1]} : vector<32x64xf32> to vector<1x64xf32>
    %add3A_47 = arith.addf %add3A_45, %slice3A_46 : vector<1x64xf32>
    %slice3A_48 = vector.extract_strided_slice %mul3A_24 {offsets = [10, 0], sizes = [1, 64], strides = [1, 1]} : vector<32x64xf32> to vector<1x64xf32>
    %add3A_49 = arith.addf %add3A_47, %slice3A_48 : vector<1x64xf32>
    %slice3A_50 = vector.extract_strided_slice %mul3A_24 {offsets = [11, 0], sizes = [1, 64], strides = [1, 1]} : vector<32x64xf32> to vector<1x64xf32>
    %add3A_51 = arith.addf %add3A_49, %slice3A_50 : vector<1x64xf32>
    %slice3A_52 = vector.extract_strided_slice %mul3A_24 {offsets = [12, 0], sizes = [1, 64], strides = [1, 1]} : vector<32x64xf32> to vector<1x64xf32>
    %add3A_53 = arith.addf %add3A_51, %slice3A_52 : vector<1x64xf32>
    %slice3A_54 = vector.extract_strided_slice %mul3A_24 {offsets = [13, 0], sizes = [1, 64], strides = [1, 1]} : vector<32x64xf32> to vector<1x64xf32>
    %add3A_55 = arith.addf %add3A_53, %slice3A_54 : vector<1x64xf32>
    %slice3A_56 = vector.extract_strided_slice %mul3A_24 {offsets = [14, 0], sizes = [1, 64], strides = [1, 1]} : vector<32x64xf32> to vector<1x64xf32>
    %add3A_57 = arith.addf %add3A_55, %slice3A_56 : vector<1x64xf32>
    %slice3A_58 = vector.extract_strided_slice %mul3A_24 {offsets = [15, 0], sizes = [1, 64], strides = [1, 1]} : vector<32x64xf32> to vector<1x64xf32>
    %add3A_59 = arith.addf %add3A_57, %slice3A_58 : vector<1x64xf32>
    %slice3A_60 = vector.extract_strided_slice %mul3A_24 {offsets = [16, 0], sizes = [1, 64], strides = [1, 1]} : vector<32x64xf32> to vector<1x64xf32>
    %add3A_61 = arith.addf %add3A_59, %slice3A_60 : vector<1x64xf32>
    %slice3A_62 = vector.extract_strided_slice %mul3A_24 {offsets = [17, 0], sizes = [1, 64], strides = [1, 1]} : vector<32x64xf32> to vector<1x64xf32>
    %add3A_63 = arith.addf %add3A_61, %slice3A_62 : vector<1x64xf32>
    %slice3A_64 = vector.extract_strided_slice %mul3A_24 {offsets = [18, 0], sizes = [1, 64], strides = [1, 1]} : vector<32x64xf32> to vector<1x64xf32>
    %add3A_65 = arith.addf %add3A_63, %slice3A_64 : vector<1x64xf32>
    %slice3A_66 = vector.extract_strided_slice %mul3A_24 {offsets = [19, 0], sizes = [1, 64], strides = [1, 1]} : vector<32x64xf32> to vector<1x64xf32>
    %add3A_67 = arith.addf %add3A_65, %slice3A_66 : vector<1x64xf32>
    %slice3A_68 = vector.extract_strided_slice %mul3A_24 {offsets = [20, 0], sizes = [1, 64], strides = [1, 1]} : vector<32x64xf32> to vector<1x64xf32>
    %add3A_69 = arith.addf %add3A_67, %slice3A_68 : vector<1x64xf32>
    %slice3A_70 = vector.extract_strided_slice %mul3A_24 {offsets = [21, 0], sizes = [1, 64], strides = [1, 1]} : vector<32x64xf32> to vector<1x64xf32>
    %add3A_71 = arith.addf %add3A_69, %slice3A_70 : vector<1x64xf32>
    %slice3A_72 = vector.extract_strided_slice %mul3A_24 {offsets = [22, 0], sizes = [1, 64], strides = [1, 1]} : vector<32x64xf32> to vector<1x64xf32>
    %add3A_73 = arith.addf %add3A_71, %slice3A_72 : vector<1x64xf32>
    %slice3A_74 = vector.extract_strided_slice %mul3A_24 {offsets = [23, 0], sizes = [1, 64], strides = [1, 1]} : vector<32x64xf32> to vector<1x64xf32>
    %add3A_75 = arith.addf %add3A_73, %slice3A_74 : vector<1x64xf32>
    %slice3A_76 = vector.extract_strided_slice %mul3A_24 {offsets = [24, 0], sizes = [1, 64], strides = [1, 1]} : vector<32x64xf32> to vector<1x64xf32>
    %add3A_77 = arith.addf %add3A_75, %slice3A_76 : vector<1x64xf32>
    %slice3A_78 = vector.extract_strided_slice %mul3A_24 {offsets = [25, 0], sizes = [1, 64], strides = [1, 1]} : vector<32x64xf32> to vector<1x64xf32>
    %add3A_79 = arith.addf %add3A_77, %slice3A_78 : vector<1x64xf32>
    %slice3A_80 = vector.extract_strided_slice %mul3A_24 {offsets = [26, 0], sizes = [1, 64], strides = [1, 1]} : vector<32x64xf32> to vector<1x64xf32>
    %add3A_81 = arith.addf %add3A_79, %slice3A_80 : vector<1x64xf32>
    %slice3A_82 = vector.extract_strided_slice %mul3A_24 {offsets = [27, 0], sizes = [1, 64], strides = [1, 1]} : vector<32x64xf32> to vector<1x64xf32>
    %add3A_83 = arith.addf %add3A_81, %slice3A_82 : vector<1x64xf32>
    %slice3A_84 = vector.extract_strided_slice %mul3A_24 {offsets = [28, 0], sizes = [1, 64], strides = [1, 1]} : vector<32x64xf32> to vector<1x64xf32>
    %add3A_85 = arith.addf %add3A_83, %slice3A_84 : vector<1x64xf32>
    %slice3A_86 = vector.extract_strided_slice %mul3A_24 {offsets = [29, 0], sizes = [1, 64], strides = [1, 1]} : vector<32x64xf32> to vector<1x64xf32>
    %add3A_87 = arith.addf %add3A_85, %slice3A_86 : vector<1x64xf32>
    %slice3A_88 = vector.extract_strided_slice %mul3A_24 {offsets = [30, 0], sizes = [1, 64], strides = [1, 1]} : vector<32x64xf32> to vector<1x64xf32>
    %add3A_89 = arith.addf %add3A_87, %slice3A_88 : vector<1x64xf32>
    %concatenate3A_90 = tpu.concatenate %broadcast_in_dim3A_26, %add3A_29, %add3A_31, %add3A_33, %add3A_35, %add3A_37, %add3A_39, %add3A_41, %add3A_43, %add3A_45, %add3A_47, %add3A_49, %add3A_51, %add3A_53, %add3A_55, %add3A_57, %add3A_59, %add3A_61, %add3A_63, %add3A_65, %add3A_67, %add3A_69, %add3A_71, %add3A_73, %add3A_75, %add3A_77, %add3A_79, %add3A_81, %add3A_83, %add3A_85, %add3A_87, %add3A_89 in 0 : vector<1x64xf32>, vector<1x64xf32>, vector<1x64xf32>, vector<1x64xf32>, vector<1x64xf32>, vector<1x64xf32>, vector<1x64xf32>, vector<1x64xf32>, vector<1x64xf32>, vector<1x64xf32>, vector<1x64xf32>, vector<1x64xf32>, vector<1x64xf32>, vector<1x64xf32>, vector<1x64xf32>, vector<1x64xf32>, vector<1x64xf32>, vector<1x64xf32>, vector<1x64xf32>, vector<1x64xf32>, vector<1x64xf32>, vector<1x64xf32>, vector<1x64xf32>, vector<1x64xf32>, vector<1x64xf32>, vector<1x64xf32>, vector<1x64xf32>, vector<1x64xf32>, vector<1x64xf32>, vector<1x64xf32>, vector<1x64xf32>, vector<1x64xf32> -> vector<32x64xf32>
    %sub3A = arith.subf %concatenate3A_19, %concatenate3A : vector<32x64xf32>
    %div3A_91 = arith.constant 5.000000e-01 : f32
    %div3A_92 = vector.broadcast %div3A_91 : f32 to vector<32x1xf32>
    %div3A_93 = arith.divf %div3A_92, %get3A_4 : vector<32x1xf32>
    %mul3A_94 = vector.broadcast %div3A_93 : vector<32x1xf32> to vector<32x64xf32>
    %mul3A_95 = arith.mulf %sub3A, %mul3A_94 : vector<32x64xf32>
    %mul3A_96 = arith.constant 2.000000e+00 : f32
    %mul3A_97 = vector.broadcast %mul3A_96 : f32 to vector<32x1xf32>
    %mul3A_98 = arith.mulf %mul3A_97, %get3A_7 : vector<32x1xf32>
    %mul3A_99 = vector.broadcast %mul3A_98 : vector<32x1xf32> to vector<32x64xf32>
    %mul3A_100 = arith.mulf %mul3A_99, %mul3A_95 : vector<32x64xf32>
    %sub3A_101 = arith.subf %concatenate3A, %mul3A_100 : vector<32x64xf32>
    %mul3A_102 = arith.mulf %get3A_7, %get3A_7 : vector<32x1xf32>
    %mul3A_103 = vector.broadcast %mul3A_102 : vector<32x1xf32> to vector<32x64xf32>
    %mul3A_104 = arith.mulf %mul3A_103, %mul3A_95 : vector<32x64xf32>
    %add3A_105 = arith.addf %concatenate3A_90, %mul3A_104 : vector<32x64xf32>
    %mul3A_106 = vector.broadcast %get3A_7 : vector<32x1xf32> to vector<32x64xf32>
    %mul3A_107 = arith.mulf %mul3A_106, %concatenate3A : vector<32x64xf32>
    %sub3A_108 = arith.subf %add3A_105, %mul3A_107 : vector<32x64xf32>
    %mul3A_109 = arith.constant 5.000000e-02 : f32
    %mul3A_110 = vector.broadcast %mul3A_109 : f32 to vector<32x64xf32>
    %mul3A_111 = arith.mulf %mul3A_95, %mul3A_110 : vector<32x64xf32>
    %swap3A = arith.constant 0 : index
    %swap3A_112 = arith.constant 0 : index
    %swap3A_113 = vector.load %arg6[%swap3A, %swap3A_112] : memref<32x64xf32, #tpu.memory_space<vmem>>, vector<32x64xf32>
    tpu.vector_store %arg6[%swap3A, %swap3A_112], %mul3A_111 {strides = array<i32>} : memref<32x64xf32, #tpu.memory_space<vmem>>, vector<32x64xf32>,
    %add3A_114 = arith.addf %sub3A_101, %mul3A_95 : vector<32x64xf32>
    %swap3A_115 = arith.constant 0 : index
    %swap3A_116 = arith.constant 0 : index
    %swap3A_117 = vector.load %arg5[%swap3A_115, %swap3A_116] : memref<32x64xf32, #tpu.memory_space<vmem>>, vector<32x64xf32>
    tpu.vector_store %arg5[%swap3A_115, %swap3A_116], %add3A_114 {strides = array<i32>} : memref<32x64xf32, #tpu.memory_space<vmem>>, vector<32x64xf32>,
    %mul3A_118 = arith.constant 5.000000e-01 : f32
    %mul3A_119 = vector.broadcast %mul3A_118 : f32 to vector<32x64xf32>
    %mul3A_120 = arith.mulf %mul3A_119, %sub3A_101 : vector<32x64xf32>
    %add3A_121 = arith.addf %sub3A_108, %mul3A_120 : vector<32x64xf32>
    %mul3A_122 = arith.constant 2.500000e-01 : f32
    %mul3A_123 = vector.broadcast %mul3A_122 : f32 to vector<32x64xf32>
    %mul3A_124 = arith.mulf %mul3A_123, %mul3A_95 : vector<32x64xf32>
    %add3A_125 = arith.addf %add3A_121, %mul3A_124 : vector<32x64xf32>
    %mul3A_126 = arith.constant 2.000000e+01 : f32
    %mul3A_127 = vector.broadcast %mul3A_126 : f32 to vector<32x64xf32>
    %mul3A_128 = arith.mulf %mul3A_127, %add3A_125 : vector<32x64xf32>
    %sub3A_129 = arith.constant 1.000000e+01 : f32
    %sub3A_130 = vector.broadcast %sub3A_129 : f32 to vector<32x64xf32>
    %sub3A_131 = arith.subf %mul3A_128, %sub3A_130 : vector<32x64xf32>
    %swap3A_132 = arith.constant 0 : index
    %swap3A_133 = arith.constant 0 : index
    %swap3A_134 = vector.load %arg4[%swap3A_132, %swap3A_133] : memref<32x64xf32, #tpu.memory_space<vmem>>, vector<32x64xf32>
    tpu.vector_store %arg4[%swap3A_132, %swap3A_133], %sub3A_131 {strides = array<i32>} : memref<32x64xf32, #tpu.memory_space<vmem>>, vector<32x64xf32>,
    return
  }
}

module attributes {stable_mosaic.version = 14 : i64} {
  func.func @_map_kernel(%arg0: i32, %arg1: memref<8192x128xf32, #tpu.memory_space<vmem>>, %arg2: memref<32x128xf32, #tpu.memory_space<vmem>>, %arg3: memref<32x128xf32, #tpu.memory_space<vmem>>, %arg4: memref<32x128xf32, #tpu.memory_space<vmem>>, %arg5: memref<8192x128xf32, #tpu.memory_space<vmem>>) attributes {dimension_semantics = [#tpu.dimension_semantics<parallel>], iteration_bounds = array<i64: 16>, scalar_prefetch = 0 : i64, scratch_operands = 0 : i64, tpu.core_type = #tpu.core_type<tc>, window_params = [{transform_indices = @transform_0, window_bounds = array<i64: 8192, 128>}, {pipeline_mode = #tpu.pipeline_mode<synchronous>, transform_indices = @transform_1, window_bounds = array<i64: 32, 128>}, {pipeline_mode = #tpu.pipeline_mode<synchronous>, transform_indices = @transform_2, window_bounds = array<i64: 32, 128>}, {pipeline_mode = #tpu.pipeline_mode<synchronous>, transform_indices = @transform_3, window_bounds = array<i64: 32, 128>}, {transform_indices = @transform_4, window_bounds = array<i64: 8192, 128>}]} {
    %get3A = arith.constant 0 : index
    %get3A_0 = arith.constant 0 : index
    %get3A_1 = vector.load %arg1[%get3A, %get3A_0] : memref<8192x128xf32, #tpu.memory_space<vmem>>, vector<8192x128xf32>
    %mul3A = arith.constant 2.000000e+00 : f32
    %mul3A_2 = vector.broadcast %mul3A : f32 to vector<8192x128xf32>
    %mul3A_3 = arith.mulf %get3A_1, %mul3A_2 : vector<8192x128xf32>
    %add3A = arith.constant 1.000000e+00 : f32
    %add3A_4 = vector.broadcast %add3A : f32 to vector<8192x128xf32>
    %add3A_5 = arith.addf %mul3A_3, %add3A_4 : vector<8192x128xf32>
    %swap3A = arith.constant 0 : index
    %swap3A_6 = arith.constant 0 : index
    %swap3A_7 = vector.load %arg5[%swap3A, %swap3A_6] : memref<8192x128xf32, #tpu.memory_space<vmem>>, vector<8192x128xf32>
    tpu.vector_store %arg5[%swap3A, %swap3A_6], %add3A_5 {strides = array<i32>} : memref<8192x128xf32, #tpu.memory_space<vmem>>, vector<8192x128xf32>,
    return
  }
  func.func @transform_0(%arg0: i32) -> (i32, i32) {
    %c0_i32 = arith.constant 0 : i32
    %c0_i32_0 = arith.constant 0 : i32
    return %arg0, %c0_i32 : i32, i32
  }
  func.func @transform_1(%arg0: i32) -> (i32, i32) {
    %c0_i32 = arith.constant 0 : i32
    %c0_i32_0 = arith.constant 0 : i32
    %c0_i32_1 = arith.constant 0 : i32
    return %c0_i32, %c0_i32_0 : i32, i32
  }
  func.func @transform_2(%arg0: i32) -> (i32, i32) {
    %c0_i32 = arith.constant 0 : i32
    %c0_i32_0 = arith.constant 0 : i32
    %c0_i32_1 = arith.constant 0 : i32
    return %c0_i32, %c0_i32_0 : i32, i32
  }
  func.func @transform_3(%arg0: i32) -> (i32, i32) {
    %c0_i32 = arith.constant 0 : i32
    %c0_i32_0 = arith.constant 0 : i32
    %c0_i32_1 = arith.constant 0 : i32
    return %c0_i32, %c0_i32_0 : i32, i32
  }
  func.func @transform_4(%arg0: i32) -> (i32, i32) {
    %c0_i32 = arith.constant 0 : i32
    %c0_i32_0 = arith.constant 0 : i32
    return %arg0, %c0_i32 : i32, i32
  }
}

</mosaic_0001>

<sc_bundles>
// kernel: sparse-core-data-format-call.cloned.1.call-start
scs
called_computation_lowered:
.L_overlay_start_0:
0x0: {  	s2 =	sld [smem:$0x3FD9]  }
0x1: {  	s3 =	sld [smem:$0x3FFE];
	_ =	sdelay $0x1  }
0x2: {  	s1 =	srdreg.scid  }
0x3: {  	s0 =	sand.u32 $0x1, s1  }
0x4: {  	s18 =	sshll.u32 s0, $0xA;
	s2 =	sadd.s32 s3, s2  }
0x5: {  	s2 =	sadd.s32 s2, s18  }
0x6: {  	[smem:$0x3FC6] =	sst s2  }
0x7: {  	_ = 	snop  }
0x8: {  	s2 =	sld [smem:$0x3FD0];
	(tm) =	ssettm $0x1  }
0x9: {  	s19 =	sld [smem:$0x3FFB];
	_ =	sdelay $0x3  }
0xa: {  	_ =	strace s19  }
0xb: {  	s3 =	sld [smem:$0x3FFC];
	_ =	sdelay $0x3  }
0xc: {  	_ =	strace s3  }
0xd: {  	s3 =	sld [smem:$0x3FFD];
	_ =	sdelay $0x3  }
0xe: {  	_ =	strace s3  }
0xf: {  	_ =	strace $0x8FFFFFFF  }
0x10: {  	s20 =	sld [smem:$0x3FDB];
	_ =	sdelay $0x1  }
0x11: {  	s4 =	simm.s32 $_scs_section_size  }
0x12: {  	s5 =	simm.s32 $_size__tile_overlayer_lowered;
	s6 =	simm.s32 $_tile_overlayer_lowered  }
0x13: {  	s23 =	simm.s32 $0x1BFF;
	s22 =	sshll.u32 s6, $0x1;
	s3 =	sadd.s32 s4, s20  }
0x14: {  	s7 =	simm.s32 $0x0;
	s21 =	sshll.u32 s5, $0x1;
	s5 =	sadd.s32 s22, s3  }
0x15: {  	[timem:s7], [sflag:s23] =	dma.local [hbm:s5], s21  }
0x16: {  	_ =	swait.ge [sflag:s23], s21  }
0x17: {  	s4 =	ssub.s32 $0x0, s21;
	[sflag:s23] =	ssyncset.done $0x0  }
0x18: {  	[sflag:s23] =	ssyncadd.s32 s4;
	_ =	sdelay $0x1  }
0x19: {  	s24 =	simm.s32 $0x1B8B  }
0x1a: {  	_ =	swait.ge [sflag:s24], $0x1  }
0x1b: {  	[sflag:s24] =	ssyncset.done $0x0  }
0x1c: {  	s26 =	simm.s32 $0x1B8E;
	s25 =	sld [smem:$0x3FFE];
	[sflag:s24] =	ssyncadd.s32 $0xFFFFFFFF  }
0x1d: {  	s27 =	simm.s32 $execute0_lowered;
	[smem:$0x3FD2] =	sst s26  }
0x1e: {  	s5 =	sshll.u32 s27, $0x1;
	_ =	strace $0x80000046;
	[dreg:$0x1] =	wrdreg $0xFFFFFFFF  }
0x1f: {  	s28 =	simm.s32 $_size_execute0_lowered;
	s3 =	sadd.s32 s3, s5;
	[dreg:$0x0] =	wrdreg $0x0  }
0x20: {  	s5 =	sshll.u32 s28, $0x1;
	[dreg:$0x2] =	wrdreg s3  }
0x21: {  	[dreg:$0x3] =	wrdreg s5  }
0x22: {  	[dreg:$0x4] =	wrdreg $0xC0  }
0x23: {  	_ =	task [dreg:s7], $0x5FFFF  }
0x24: {  	[dreg:$0x1] =	wrdreg $0xFFFFFFFF  }
0x25: {  	[dreg:$0x0] =	wrdreg $0x60  }
0x26: {  	[dreg:$0x2] =	wrdreg s25  }
0x27: {  	[dreg:$0x3] =	wrdreg s2  }
0x28: {  	[dreg:$0x4] =	wrdreg $0x9  }
0x29: {  	_ =	task.clear_ibuf [dreg:s7], $0x5FFFF;
	_ =	strace $0x90000046  }
0x2a: {  	s29 =	simm.s32 $0x9;
	_ =	strace $0x80000048  }
0x2b: {  	_ =	swait.ge [sflag:s29], $0x1  }
0x2c: {  	[sflag:s29] =	ssyncadd.s32 $0xFFFFFFFF  }
0x2d: {  	_ =	strace $0x90000048  }
0x2e: {  	_ =	sfence  }
0x2f: {  	s30 =	sld [smem:$0x0];
	_ =	sdelay $0x2  }
0x30: {  	s31 =	sshll.u32 s1, $0xD;
	s1 =	sshrl.u32 s1, $0x2  }
0x31: {  	s3 =	sand.u32 $0x4000, s31;
	s1 =	sadd.s32 s1, s30  }
0x32: {  	s0 =	sor.u32 s3, s0;
	s1 =	sshll.u32 s1, $0x11  }
0x33: {  	s0 =	sor.u32 s1, s0  }
0x34: {  	s0 =	sadd.s32 $0x8F2B, s0  }
0x35: {  	[sflag:s0] =	ssyncadd.remote.s32 $0x1  }
0x36: {  	_ =	sfence.sel $0xFFFF  }
0x37: {  	[dreg:$0x0] =	wrdreg $0xFFFFFFFF;
	(pc) =	sbr.abs _section_cstart, $3  }
0x38: {  	[dreg:$0x1] =	wrdreg $0xFFFFFFFF  }
0x39: {  	_ =	task.clear_ibuf [dreg:s7], $0x2FFFF;
	_ =	strace $0x9FFFFFFF  }
0x3a: {  	(tm) =	ssettm $0x7FFFFFFF  }
0x3b: {  	_ =	shalt  }
tec
execute0_lowered:
.L_overlay_start_1:
0x0: {  	(tag) =	ssettag $0x1  }
0x1: {  	s0 =	srdreg.scid  }
0x2: {  	s1 =	sshll.u32 s0, $0x4  }
0x3: {  	s4 =	rddreg [dreg:$0x0];
	s0 =	stileid.u32;
	s1 =	sand.u32 $0x10, s1  }
0x4: {  	s2 =	rddreg [dreg:$0x1];
	s7 =	simm.s32 $0x1;
	s1 =	sor.u32 s0, s1  }
0x5: {  	s8 =	simm.s32 $0x2;
	s11 =	simm.s32 $0x0;
	s3 =	sshll.u32 s1, $0x7  }
0x6: {  	s10 =	simm.s32 $0x0;
	s4 =	sadd.s32 $0x201000, s4;
	s6 =	ssub.s32 $0x40000, s3  }
.Ltmp0:
0x7: {  	s1 =	rddreg [dreg:$0x2];
	s5 =	sand.u32 $0xF80, s6;
	(pc) =	sbr.rel .LBB1_1-.Ltmp0, $4  }
0x8: {  	_ =	strace $0x80000047;
	s9 =	smov.u32 s3;
	p0 =	sne.s32 s5, $0x0  }
0x9: {  	s6 =	sshrl.u32 s6, $0xC;
	s5 =	simm.s32 $0x1;
	s7 =	simm.s32 @!p0 $0x0  }
0xa: {  	[sflag:s5] =	ssyncpa.u1 $0x0;
	p0 =	por $0x0, $0x0;
	s6 =	sadd.s32 s7, s6  }
0xb: {  	[sflag:s8] =	ssyncpa.u1 $0x0;
	s8 =	simm.s32 $0x200000;
	s7 =	sadd.s32 $0x1, s6  }
.LBB1_4:
0xc: {  	s14 =	sshll.u32 s11, $0x3  }
0xd: {  	s15 =	sand.u32 $0x78, s11;
	s14 =	sand.u32 $0x3FC00, s14  }
0xe: {  	[tilespmem:s13+$0x810 ss:$0x81] =	vst.msk $0xffff, v2;
	s29 =	sand.u32 $0x1F8000, s11;
	s30 =	sand.u32 $0x7, s11;
	s14 =	sor.u32 s15, s14  }
0xf: {  	[tilespmem:s13+$0x1020 ss:$0x81] =	vst.msk $0xffff, v0;
	s11 =	sshll.u32 s30, $0x12;
	s15 =	sadd.s32 s2, s29;
	s14 =	sshrl.u32 s14, $0x3  }
0x10: {  	[tilespmem:s13+$0x0 ss:$0x81] =	vst.msk $0xffff, v1;
	s11 =	sor.u32 $0x400, s11;
	s31 =	sadd.s32 s14, s15  }
0x11: {  	[hbm4b:s31+s11] =	stream.strided.scatter [tilespmem:s12], [sflag:$0x2], $0x2000, s8, s11, $0x20;
	[tilespmem:$0x8080] =	vst v63  }
.LBB1_5:
0x12: {  	s13 =	sadd.s32 $0x1000, s9  }
0x13: {  	p2 =	sgt.s32 s13, $0x3FFFF  }
0x14: {  	s13 =	smov.u32 @p2 s3;
	p2 =	sne.s32 s10, s7  }
.Ltmp1:
0x15: {  	p1 =	slt.u32 s10, $0x2;
	(pc) =	sbr.rel @!p2 .LBB1_6-.Ltmp1, $4  }
0x16: {  	s12 =	simm.s32 @!p1 $0x2  }
0x17: {  	s14 =	sadd.s32 $0x1, s10;
	_ =	swait.ge @!p1 [sflag:s12], $0x2000  }
0x18: {  	s11 =	smov.u32 s9;
	p0 =	por !p0, !p0;
	[sflag:s12] =	ssyncset.done @!p1 $0x0  }
0x19: {  	s10 =	smov.u32 s14;
	s9 =	smov.u32 s13;
	[sflag:s12] =	ssyncadd.s32 @!p1 $0xFFFFE000  }
.LBB1_1:
0x1a: {  	p1 =	sge.u32 s10, s6  }
0x1b: {  	s31 =	sadd.s32 $0xFFFFFFFF, s10;
	s12 =	sxor.u32 @!p1 $0xFFFFFFFF, s10;
	s13 =	sshll.u32 @!p1 s9, $0x4  }
0x1c: {  	s14 =	simm.s32 @!p1 $0x40;
	s12 =	sshll.u32 @!p1 s12, $0xD;
	s13 =	sand.u32 @!p1 $0x3FFFF0, s13  }
0x1d: {  	s15 =	simm.s32 @!p1 $0x80;
	s12 =	sand.u32 @!p1 $0x2000, s12;
	s13 =	sadd.s32 @!p1 s4, s13  }
0x1e: {  	[tilespmem:s12], [sflag:$0x1] =	stream.strided.gather @!p1 [hbm4b:s13+s14], $0x2000, s15, s14, $0x38;
	[tilespmem:$0x8080] =	vst v63  }
0x1f: {  	p1 =	sge.u32 s31, s6  }
.Ltmp2:
0x20: {  	_ = 	snop;
	(pc) =	sbr.rel @p1 .LBB1_5-.Ltmp2, $1  }
0x21: {  	_ =	sdelay $0x3  }
0x22: {  	s12 =	simm.s32 $0x1  }
0x23: {  	_ =	swait.ge [sflag:s5], $0x2000;
	s12 =	simm.s32 @!p0 $0x0  }
0x24: {  	[sflag:s5] =	ssyncset.done $0x0;
	s13 =	sshll.u32 s12, $0xD  }
0x25: {  	[sflag:s5] =	ssyncadd.s32 $0xFFFFE000;
	s16 =	sor.u32 $0x20, s13  }
0x26: {  	s12 =	smul.u32 $0x8100, s12;
	v3 =	vld [tilespmem:s16+$0x10]  }
0x27: {  	s30 =	sand.u32 $0x1, s10;
	v2 =	vld [tilespmem:s16+$0xFFFFFFF0]  }
0x28: {  	s13 =	smul.u32 $0x8100, s30;
	s12 =	sshrl.u32 s12, $0x2;
	v0 =	vld [tilespmem:s16+$0x0]  }
0x29: {  	v1 =	vld [tilespmem:s16+$0xFFFFFFE0];
	s14 =	sor.u32 $0x4000, s12  }
0x2a: {  	s31 =	sshrl.u32 s13, $0x2;
	s13 =	sadd.s32 $0x0, s14  }
0x2b: {  	s15 =	simm.s32 $0x4;
	s16 =	sadd.s32 $0x40, s16;
	s12 =	sor.u32 $0x4000, s31;
	[tilespmem:s13+$0x1830 ss:$0x81] =	vst.msk $0xffff, v3  }
.LBB1_3:
0x2c: {  	v3 =	vld [tilespmem:s16+$0x10];
	p1 =	sne.s32 s15, $0x1FC;
	[tilespmem:s13+$0x810 ss:$0x81] =	vst.msk $0xffff, v2;
	s17 =	smov.u32 s15;
	s15 =	sadd.s32 $0x4, s15  }
.Ltmp3:
0x2d: {  	v2 =	vld [tilespmem:s16+$0xFFFFFFF0];
	[tilespmem:s13+$0x1020 ss:$0x81] =	vst.msk $0xffff, v0;
	(pc) =	sbr.rel @p1 .LBB1_3-.Ltmp3, $4  }
0x2e: {  	v0 =	vld [tilespmem:s16+$0x0];
	[tilespmem:s13+$0x0 ss:$0x81] =	vst.msk $0xffff, v1  }
0x2f: {  	s13 =	sshra.s32 s17, $0x2;
	v1 =	vld [tilespmem:s16+$0xFFFFFFE0]  }
0x30: {  	s13 =	sadd.s32 s13, s14  }
0x31: {  	s16 =	sadd.s32 $0x40, s16;
	[tilespmem:s13+$0x1830 ss:$0x81] =	vst.msk $0xffff, v3  }
.Ltmp4:
0x32: {  	_ = 	snop;
	(pc) =	sbr.rel .LBB1_4-.Ltmp4, $1  }
0x33: {  	_ =	sdelay $0x3  }
.LBB1_6:
0x34: {  	_ =	sfence.sel $0x180000  }
0x35: {  	s2 =	simm.s32 $0x1;
	[bflag:$0x0] =	sbarrier.arrive $0xFFFF  }
0x36: {  	s31 =	simm.s32 $0x2;
	[sflag:s2] =	ssyncpa.u1 $0x1  }
0x37: {  	[sflag:s31] =	ssyncpa.u1 $0x1  }
0x38: {  	p0 =	sne.s32 s0, $0x0;
	_ =	strace $0x90000047  }
0x39: {  	s0 =	sadd.s32 @!p0 $0x100000, s1;
	[bflag:$0x2] =	sbarrier.arrive $0xFFFF  }
0x3a: {  	[sflag:s0] =	ssyncadd.tile.s32 @!p0 $0x1;
	_ =	shalt  }
.Lfunc_end1:
_tile_overlayer_lowered:
.L_overlay_start_2:
0x3b: {  	(tag) =	ssettag $0x2  }
0x3c: {  	s0 =	rddreg [dreg:$0x0];
	s2 =	stileid.u32  }
0x3d: {  	s1 =	rddreg [dreg:$0x1];
	p0 =	sne.s32 s2, $0x0  }
0x3e: {  	s3 =	rddreg [dreg:$0x2];
	[bflag:$0x3] =	sbarrier.arrive $0xFFFF;
	s2 =	simm.s32 @!p0 $0x1C01  }
0x3f: {  	[timem:s3], [sflag:s2] =	dma.local @!p0 [hbm:s0], s1  }
0x40: {  	s0 =	simm.s32 @!p0 $0x1  }
0x41: {  	_ =	swait.ge @!p0 [sflag:s0], s1  }
0x42: {  	s1 =	ssub.s32 @!p0 $0x0, s1;
	[sflag:s0] =	ssyncset.done @!p0 $0x0  }
0x43: {  	[sflag:s0] =	ssyncadd.s32 @!p0 s1  }
0x44: {  	[bflag:$0x3] =	sbarrier.arrive $0xFFFF  }
0x45: {  	_ =	shalt  }

</sc_bundles>
